<compile_context>
chip_gen: v7x
topology: tpu7x:2x2x1
jax: 0.10.2.dev20260603
libtpu: 0.0.44.dev20260713+nightly
codegen_flags: <defaults>
</compile_context>

<pallas_src>
import jax
import jax.numpy as jnp
from jax import lax
from jax.experimental import pallas as pl
from jax.experimental.pallas import tpu as pltpu
from jax.experimental.pallas import tpu_sc as plsc

L = 16
NC = 2
NS = 16
NW = NC * NS
B = 16384
D = 32
BW = B // NW


def _sc_body(head_hbm, rel_hbm, tail_hbm, ent_hbm, lab_hbm, out_hbm,
             hidx, ridx, tidx, h_v, r_v, t_v, out_v, sem):
    wid = lax.axis_index("s") * NC + lax.axis_index("c")
    base = wid * BW

    pltpu.sync_copy(head_hbm.at[pl.ds(base, BW)], hidx)
    pltpu.sync_copy(rel_hbm.at[pl.ds(base, BW)], ridx)
    pltpu.sync_copy(tail_hbm.at[pl.ds(base, BW)], tidx)

    ch = pltpu.async_copy(ent_hbm.at[hidx], h_v, sem)
    cr = pltpu.async_copy(lab_hbm.at[ridx], r_v, sem)
    ct = pltpu.async_copy(ent_hbm.at[tidx], t_v, sem)
    ch.wait()
    cr.wait()
    ct.wait()

    lane = lax.iota(jnp.int32, L)
    mask0 = lane == 0

    def row_body(i, carry):
        for u in range(4):
            r = i * 4 + u
            d0 = h_v[r, pl.ds(0, L)] + r_v[r, pl.ds(0, L)] - t_v[r, pl.ds(0, L)]
            d1 = h_v[r, pl.ds(L, L)] + r_v[r, pl.ds(L, L)] - t_v[r, pl.ds(L, L)]
            s = d0 * d0 + d1 * d1
            total = lax.broadcast(jnp.sum(s, axis=0), (L,))
            plsc.store_compressed(out_v.at[pl.ds(r, L)], total, mask=mask0)
        return carry

    lax.fori_loop(0, BW // 4, row_body, 0)

    pltpu.sync_copy(out_v.at[pl.ds(0, BW)], out_hbm.at[pl.ds(base, BW)])


def kernel(head_idx, rel_idx, tail_idx, entities_emb, labels_emb):
    mesh = plsc.VectorSubcoreMesh(core_axis_name="c", subcore_axis_name="s")
    k = pl.kernel(
        _sc_body,
        out_type=jax.ShapeDtypeStruct((B,), jnp.float32),
        mesh=mesh,
        compiler_params=pltpu.CompilerParams(
            needs_layout_passes=False, use_tc_tiling_on_sc=False),
        scratch_types=[
            pltpu.VMEM((BW,), jnp.int32),
            pltpu.VMEM((BW,), jnp.int32),
            pltpu.VMEM((BW,), jnp.int32),
            pltpu.VMEM((BW, D), jnp.float32),
            pltpu.VMEM((BW, D), jnp.float32),
            pltpu.VMEM((BW, D), jnp.float32),
            pltpu.VMEM((BW + L,), jnp.float32),
            pltpu.SemaphoreType.DMA,
        ],
    )
    return k(head_idx, rel_idx, tail_idx, entities_emb, labels_emb)

# --- scband reference (transcript-rebuilt; emitter-appended) ---
"""Pipeline reference for scband-representation-learning-85899345920023 (READ-ONLY COPY).

The authoritative reference and input builder live on the scoring server;
editing this copy changes nothing except your own understanding.
"""

import jax, jax.numpy as jnp
import numpy as np

ENTITY_COUNT = 1000000
NUM_LABELS = 50000
EMB_DIM = 32
BATCH = 16384

def _normed_table(key, n, d):
    w = jax.random.uniform(key, (n, d), dtype=jnp.float32, minval=-1.0, maxval=1.0)
    return w / jnp.linalg.norm(w, ord=2, axis=1, keepdims=True)

def setup_inputs(seed: int = 0) -> dict:
    key = jax.random.key(seed)
    k1, k2, k3, k4, k5 = jax.random.split(key, 5)
    head_idx = jax.random.randint(k1, (BATCH,), 0, ENTITY_COUNT, dtype=jnp.int64 if jax.config.jax_enable_x64 else jnp.int32).astype(jnp.int32)
    rel_idx = jax.random.randint(k2, (BATCH,), 0, NUM_LABELS).astype(jnp.int32)
    tail_idx = jax.random.randint(k3, (BATCH,), 0, ENTITY_COUNT).astype(jnp.int32)
    entities_emb = _normed_table(k4, ENTITY_COUNT, EMB_DIM)
    labels_emb = _normed_table(k5, NUM_LABELS, EMB_DIM)
    return {"head_idx": head_idx, "rel_idx": rel_idx, "tail_idx": tail_idx, "entities_emb": entities_emb, "labels_emb": labels_emb}

def reference(head_idx, rel_idx, tail_idx, entities_emb, labels_emb):
    # embedding_lookup: gather entity embeddings for heads/tails and label
    # embeddings for relations, then TransE-style squared L2 distance score
    # (self.norm=2, self.pow=True in the original module).
    h = jnp.take(entities_emb, head_idx, axis=0)   # [B, D] gather
    r = jnp.take(labels_emb, rel_idx, axis=0)      # [B, D] gather
    t = jnp.take(entities_emb, tail_idx, axis=0)   # [B, D] gather
    diff = h + r - t
    score = jnp.sum(diff * diff, axis=-1)          # [B]
    return score

if __name__ == "__main__":
    import jax
    _d = setup_inputs()
    print(jax.jit(kernel)(*tuple(_d.values())))

</pallas_src>

<mosaic_0001>
#map = affine_map<(d0, d1) -> (0)>
#map1 = affine_map<(d0, d1) -> (0, 0)>
module attributes {stable_mosaic.version = 14 : i64} {
  func.func @_sc_body(%arg0: i32, %arg1: i32, %arg2: memref<16384xi32, #tpu.memory_space<hbm>>, %arg3: memref<16384xi32, #tpu.memory_space<hbm>>, %arg4: memref<16384xi32, #tpu.memory_space<hbm>>, %arg5: memref<1000000x32xf32, #tpu.memory_space<hbm>>, %arg6: memref<50000x32xf32, #tpu.memory_space<hbm>>, %arg7: memref<16384xf32, #tpu.memory_space<hbm>>, %arg8: memref<512xi32, #tpu.memory_space<vmem>>, %arg9: memref<512xi32, #tpu.memory_space<vmem>>, %arg10: memref<512xi32, #tpu.memory_space<vmem>>, %arg11: memref<512x32xf32, #tpu.memory_space<vmem>>, %arg12: memref<512x32xf32, #tpu.memory_space<vmem>>, %arg13: memref<512x32xf32, #tpu.memory_space<vmem>>, %arg14: memref<528xf32, #tpu.memory_space<vmem>>, %arg15: memref<!tpu.dma_semaphore, #tpu.memory_space<semaphore_mem>>) attributes {dimension_semantics = [#tpu.dimension_semantics<core_parallel>, #tpu.dimension_semantics<subcore_parallel>], iteration_bounds = array<i64: 2, 16>, scalar_prefetch = 0 : i64, scratch_operands = 8 : i64, tpu.core_type = #tpu.core_type<sc_vector_subcore>, window_params = [{transform_indices = #map}, {transform_indices = #map}, {transform_indices = #map}, {transform_indices = #map1}, {transform_indices = #map1}, {transform_indices = #map}]} {
    %mul3A = arith.constant 2 : i32
    %mul3A_0 = arith.muli %arg1, %mul3A : i32
    %add3A = arith.addi %mul3A_0, %arg0 : i32
    %mul3A_1 = arith.constant 512 : i32
    %mul3A_2 = arith.muli %add3A, %mul3A_1 : i32
    "tpu.region"() ({
      %run_scoped3A = tpu.sem_alloc : memref<!tpu.dma_semaphore, #tpu.memory_space<semaphore_mem>>
      %dma_start3A_26 = tpu.memref_slice %arg2[%mul3A_2] : memref<16384xi32, #tpu.memory_space<hbm>> -> memref<512xi32, #tpu.memory_space<hbm>>
      %dma_start3A_27 = tpu.memref_slice %arg2[%mul3A_2] : memref<16384xi32, #tpu.memory_space<hbm>> -> memref<512xi32, #tpu.memory_space<hbm>>
      tpu.enqueue_dma source(%dma_start3A_27 : memref<512xi32, #tpu.memory_space<hbm>>) target(%arg8 : memref<512xi32, #tpu.memory_space<vmem>>) target_semaphore(%run_scoped3A : memref<!tpu.dma_semaphore, #tpu.memory_space<semaphore_mem>>)
      %dma_wait3A_28 = tpu.memref_slice %arg2[%mul3A_2] : memref<16384xi32, #tpu.memory_space<hbm>> -> memref<512xi32, #tpu.memory_space<hbm>>
      %dma_wait3A_29 = tpu.memref_slice %arg2[%mul3A_2] : memref<16384xi32, #tpu.memory_space<hbm>> -> memref<512xi32, #tpu.memory_space<hbm>>
      tpu.wait_dma2 semaphore(%run_scoped3A : memref<!tpu.dma_semaphore, #tpu.memory_space<semaphore_mem>>) src(%dma_wait3A_29 : memref<512xi32, #tpu.memory_space<hbm>>) dst(%arg8 : memref<512xi32, #tpu.memory_space<vmem>>)
      tpu.yield
    }) : () -> ()
    "tpu.region"() ({
      %run_scoped3A = tpu.sem_alloc : memref<!tpu.dma_semaphore, #tpu.memory_space<semaphore_mem>>
      %dma_start3A_26 = tpu.memref_slice %arg3[%mul3A_2] : memref<16384xi32, #tpu.memory_space<hbm>> -> memref<512xi32, #tpu.memory_space<hbm>>
      %dma_start3A_27 = tpu.memref_slice %arg3[%mul3A_2] : memref<16384xi32, #tpu.memory_space<hbm>> -> memref<512xi32, #tpu.memory_space<hbm>>
      tpu.enqueue_dma source(%dma_start3A_27 : memref<512xi32, #tpu.memory_space<hbm>>) target(%arg9 : memref<512xi32, #tpu.memory_space<vmem>>) target_semaphore(%run_scoped3A : memref<!tpu.dma_semaphore, #tpu.memory_space<semaphore_mem>>)
      %dma_wait3A_28 = tpu.memref_slice %arg3[%mul3A_2] : memref<16384xi32, #tpu.memory_space<hbm>> -> memref<512xi32, #tpu.memory_space<hbm>>
      %dma_wait3A_29 = tpu.memref_slice %arg3[%mul3A_2] : memref<16384xi32, #tpu.memory_space<hbm>> -> memref<512xi32, #tpu.memory_space<hbm>>
      tpu.wait_dma2 semaphore(%run_scoped3A : memref<!tpu.dma_semaphore, #tpu.memory_space<semaphore_mem>>) src(%dma_wait3A_29 : memref<512xi32, #tpu.memory_space<hbm>>) dst(%arg9 : memref<512xi32, #tpu.memory_space<vmem>>)
      tpu.yield
    }) : () -> ()
    "tpu.region"() ({
      %run_scoped3A = tpu.sem_alloc : memref<!tpu.dma_semaphore, #tpu.memory_space<semaphore_mem>>
      %dma_start3A_26 = tpu.memref_slice %arg4[%mul3A_2] : memref<16384xi32, #tpu.memory_space<hbm>> -> memref<512xi32, #tpu.memory_space<hbm>>
      %dma_start3A_27 = tpu.memref_slice %arg4[%mul3A_2] : memref<16384xi32, #tpu.memory_space<hbm>> -> memref<512xi32, #tpu.memory_space<hbm>>
      tpu.enqueue_dma source(%dma_start3A_27 : memref<512xi32, #tpu.memory_space<hbm>>) target(%arg10 : memref<512xi32, #tpu.memory_space<vmem>>) target_semaphore(%run_scoped3A : memref<!tpu.dma_semaphore, #tpu.memory_space<semaphore_mem>>)
      %dma_wait3A_28 = tpu.memref_slice %arg4[%mul3A_2] : memref<16384xi32, #tpu.memory_space<hbm>> -> memref<512xi32, #tpu.memory_space<hbm>>
      %dma_wait3A_29 = tpu.memref_slice %arg4[%mul3A_2] : memref<16384xi32, #tpu.memory_space<hbm>> -> memref<512xi32, #tpu.memory_space<hbm>>
      tpu.wait_dma2 semaphore(%run_scoped3A : memref<!tpu.dma_semaphore, #tpu.memory_space<semaphore_mem>>) src(%dma_wait3A_29 : memref<512xi32, #tpu.memory_space<hbm>>) dst(%arg10 : memref<512xi32, #tpu.memory_space<vmem>>)
      tpu.yield
    }) : () -> ()
    %dma_start3A = arith.constant 0 : i32
    %dma_start3A_3 = arith.constant 0 : i32
    %dma_start3A_4 = tpu.memref_slice %arg5[%dma_start3A, %dma_start3A_3] : memref<1000000x32xf32, #tpu.memory_space<hbm>> -> memref<1000000x32xf32, #tpu.memory_space<hbm>>
    tpu.enqueue_indirect_dma source(%dma_start3A_4 : memref<1000000x32xf32, #tpu.memory_space<hbm>>) target(%arg11 : memref<512x32xf32, #tpu.memory_space<vmem>>) offsets(%arg8 : memref<512xi32, #tpu.memory_space<vmem>>) semaphore(%arg15 : memref<!tpu.dma_semaphore, #tpu.memory_space<semaphore_mem>>)
    %dma_start3A_5 = arith.constant 0 : i32
    %dma_start3A_6 = arith.constant 0 : i32
    %dma_start3A_7 = tpu.memref_slice %arg6[%dma_start3A_5, %dma_start3A_6] : memref<50000x32xf32, #tpu.memory_space<hbm>> -> memref<50000x32xf32, #tpu.memory_space<hbm>>
    tpu.enqueue_indirect_dma source(%dma_start3A_7 : memref<50000x32xf32, #tpu.memory_space<hbm>>) target(%arg12 : memref<512x32xf32, #tpu.memory_space<vmem>>) offsets(%arg9 : memref<512xi32, #tpu.memory_space<vmem>>) semaphore(%arg15 : memref<!tpu.dma_semaphore, #tpu.memory_space<semaphore_mem>>)
    %dma_start3A_8 = arith.constant 0 : i32
    %dma_start3A_9 = arith.constant 0 : i32
    %dma_start3A_10 = tpu.memref_slice %arg5[%dma_start3A_8, %dma_start3A_9] : memref<1000000x32xf32, #tpu.memory_space<hbm>> -> memref<1000000x32xf32, #tpu.memory_space<hbm>>
    tpu.enqueue_indirect_dma source(%dma_start3A_10 : memref<1000000x32xf32, #tpu.memory_space<hbm>>) target(%arg13 : memref<512x32xf32, #tpu.memory_space<vmem>>) offsets(%arg10 : memref<512xi32, #tpu.memory_space<vmem>>) semaphore(%arg15 : memref<!tpu.dma_semaphore, #tpu.memory_space<semaphore_mem>>)
    %dma_wait3A = arith.constant 0 : i32
    %dma_wait3A_11 = arith.constant 0 : i32
    %dma_wait3A_12 = tpu.memref_slice %arg5[%dma_wait3A, %dma_wait3A_11] : memref<1000000x32xf32, #tpu.memory_space<hbm>> -> memref<1000000x32xf32, #tpu.memory_space<hbm>>
    tpu.wait_indirect_dma semaphore(%arg15 : memref<!tpu.dma_semaphore, #tpu.memory_space<semaphore_mem>>) src(%dma_wait3A_12 : memref<1000000x32xf32, #tpu.memory_space<hbm>>) dst(%arg11 : memref<512x32xf32, #tpu.memory_space<vmem>>)
    %dma_wait3A_13 = arith.constant 0 : i32
    %dma_wait3A_14 = arith.constant 0 : i32
    %dma_wait3A_15 = tpu.memref_slice %arg6[%dma_wait3A_13, %dma_wait3A_14] : memref<50000x32xf32, #tpu.memory_space<hbm>> -> memref<50000x32xf32, #tpu.memory_space<hbm>>
    tpu.wait_indirect_dma semaphore(%arg15 : memref<!tpu.dma_semaphore, #tpu.memory_space<semaphore_mem>>) src(%dma_wait3A_15 : memref<50000x32xf32, #tpu.memory_space<hbm>>) dst(%arg12 : memref<512x32xf32, #tpu.memory_space<vmem>>)
    %dma_wait3A_16 = arith.constant 0 : i32
    %dma_wait3A_17 = arith.constant 0 : i32
    %dma_wait3A_18 = tpu.memref_slice %arg5[%dma_wait3A_16, %dma_wait3A_17] : memref<1000000x32xf32, #tpu.memory_space<hbm>> -> memref<1000000x32xf32, #tpu.memory_space<hbm>>
    tpu.wait_indirect_dma semaphore(%arg15 : memref<!tpu.dma_semaphore, #tpu.memory_space<semaphore_mem>>) src(%dma_wait3A_18 : memref<1000000x32xf32, #tpu.memory_space<hbm>>) dst(%arg13 : memref<512x32xf32, #tpu.memory_space<vmem>>)
    %iota3A = tpu.iota {dimensions = array<i32: 0>} : vector<16xi32>
    %eq3A = arith.constant 0 : i32
    %eq3A_19 = vector.broadcast %eq3A : i32 to vector<16xi32>
    %eq3A_20 = arith.cmpi eq, %iota3A, %eq3A_19 : vector<16xi32>
    %scan3A = arith.constant 0 : i32
    %scan3A_21 = arith.constant 0 : i32
    %scan3A_22 = arith.constant 128 : i32
    %scan3A_23 = arith.addi %scan3A_21, %scan3A_22 : i32
    %scan3A_24 = arith.constant 1 : i32
    scf.for %scan3A_26 = %scan3A_21 to %scan3A_23 step %scan3A_24  : i32 {
      %mul3A_27 = arith.constant 4 : i32
      %mul3A_28 = arith.muli %scan3A_26, %mul3A_27 : i32
      %add3A_29 = arith.constant 0 : i32
      %add3A_30 = arith.addi %mul3A_28, %add3A_29 : i32
      %get3A = arith.index_cast %add3A_30 : i32 to index
      %get3A_31 = arith.constant 0 : index
      %get3A_32 = tpu.vector_load %arg11[%get3A, %get3A_31] {strides = array<i32>} : memref<512x32xf32, #tpu.memory_space<vmem>>, vector<16xf32>,
      %get3A_33 = arith.index_cast %add3A_30 : i32 to index
      %get3A_34 = arith.constant 0 : index
      %get3A_35 = tpu.vector_load %arg12[%get3A_33, %get3A_34] {strides = array<i32>} : memref<512x32xf32, #tpu.memory_space<vmem>>, vector<16xf32>,
      %add3A_36 = arith.addf %get3A_32, %get3A_35 : vector<16xf32>
      %get3A_37 = arith.index_cast %add3A_30 : i32 to index
      %get3A_38 = arith.constant 0 : index
      %get3A_39 = tpu.vector_load %arg13[%get3A_37, %get3A_38] {strides = array<i32>} : memref<512x32xf32, #tpu.memory_space<vmem>>, vector<16xf32>,
      %sub3A = arith.subf %add3A_36, %get3A_39 : vector<16xf32>
      %get3A_40 = arith.index_cast %add3A_30 : i32 to index
      %get3A_41 = arith.constant 16 : index
      %get3A_42 = tpu.vector_load %arg11[%get3A_40, %get3A_41] {strides = array<i32>} : memref<512x32xf32, #tpu.memory_space<vmem>>, vector<16xf32>,
      %get3A_43 = arith.index_cast %add3A_30 : i32 to index
      %get3A_44 = arith.constant 16 : index
      %get3A_45 = tpu.vector_load %arg12[%get3A_43, %get3A_44] {strides = array<i32>} : memref<512x32xf32, #tpu.memory_space<vmem>>, vector<16xf32>,
      %add3A_46 = arith.addf %get3A_42, %get3A_45 : vector<16xf32>
      %get3A_47 = arith.index_cast %add3A_30 : i32 to index
      %get3A_48 = arith.constant 16 : index
      %get3A_49 = tpu.vector_load %arg13[%get3A_47, %get3A_48] {strides = array<i32>} : memref<512x32xf32, #tpu.memory_space<vmem>>, vector<16xf32>,
      %sub3A_50 = arith.subf %add3A_46, %get3A_49 : vector<16xf32>
      %mul3A_51 = arith.mulf %sub3A, %sub3A : vector<16xf32>
      %mul3A_52 = arith.mulf %sub3A_50, %sub3A_50 : vector<16xf32>
      %add3A_53 = arith.addf %mul3A_51, %mul3A_52 : vector<16xf32>
      %reduce_sum3A = arith.constant true
      %reduce_sum3A_54 = vector.broadcast %reduce_sum3A : i1 to vector<16xi1>
      %reduce_sum3A_55 = tpu.scan <sum>, %add3A_53 masked %reduce_sum3A_54 : vector<16xf32>, vector<16xi1> -> vector<16xf32>
      %reduce_sum3A_56 = vector.extract %reduce_sum3A_55[15] : f32 from vector<16xf32>
      %broadcast_in_dim3A = vector.broadcast %reduce_sum3A_56 : f32 to vector<16xf32>
      %swap3A = arith.index_cast %add3A_30 : i32 to index
      %swap3A_57 = tpu.vector_load %arg14[%swap3A] masked %eq3A_20 {strides = array<i32>} : memref<528xf32, #tpu.memory_space<vmem>>, vector<16xf32>, vector<16xi1>
      tpu.vector_store %arg14[%swap3A], %broadcast_in_dim3A masked %eq3A_20 {strides = array<i32>} : memref<528xf32, #tpu.memory_space<vmem>>, vector<16xf32>, vector<16xi1>
      %mul3A_58 = arith.constant 4 : i32
      %mul3A_59 = arith.muli %scan3A_26, %mul3A_58 : i32
      %add3A_60 = arith.constant 1 : i32
      %add3A_61 = arith.addi %mul3A_59, %add3A_60 : i32
      %get3A_62 = arith.index_cast %add3A_61 : i32 to index
      %get3A_63 = arith.constant 0 : index
      %get3A_64 = tpu.vector_load %arg11[%get3A_62, %get3A_63] {strides = array<i32>} : memref<512x32xf32, #tpu.memory_space<vmem>>, vector<16xf32>,
      %get3A_65 = arith.index_cast %add3A_61 : i32 to index
      %get3A_66 = arith.constant 0 : index
      %get3A_67 = tpu.vector_load %arg12[%get3A_65, %get3A_66] {strides = array<i32>} : memref<512x32xf32, #tpu.memory_space<vmem>>, vector<16xf32>,
      %add3A_68 = arith.addf %get3A_64, %get3A_67 : vector<16xf32>
      %get3A_69 = arith.index_cast %add3A_61 : i32 to index
      %get3A_70 = arith.constant 0 : index
      %get3A_71 = tpu.vector_load %arg13[%get3A_69, %get3A_70] {strides = array<i32>} : memref<512x32xf32, #tpu.memory_space<vmem>>, vector<16xf32>,
      %sub3A_72 = arith.subf %add3A_68, %get3A_71 : vector<16xf32>
      %get3A_73 = arith.index_cast %add3A_61 : i32 to index
      %get3A_74 = arith.constant 16 : index
      %get3A_75 = tpu.vector_load %arg11[%get3A_73, %get3A_74] {strides = array<i32>} : memref<512x32xf32, #tpu.memory_space<vmem>>, vector<16xf32>,
      %get3A_76 = arith.index_cast %add3A_61 : i32 to index
      %get3A_77 = arith.constant 16 : index
      %get3A_78 = tpu.vector_load %arg12[%get3A_76, %get3A_77] {strides = array<i32>} : memref<512x32xf32, #tpu.memory_space<vmem>>, vector<16xf32>,
      %add3A_79 = arith.addf %get3A_75, %get3A_78 : vector<16xf32>
      %get3A_80 = arith.index_cast %add3A_61 : i32 to index
      %get3A_81 = arith.constant 16 : index
      %get3A_82 = tpu.vector_load %arg13[%get3A_80, %get3A_81] {strides = array<i32>} : memref<512x32xf32, #tpu.memory_space<vmem>>, vector<16xf32>,
      %sub3A_83 = arith.subf %add3A_79, %get3A_82 : vector<16xf32>
      %mul3A_84 = arith.mulf %sub3A_72, %sub3A_72 : vector<16xf32>
      %mul3A_85 = arith.mulf %sub3A_83, %sub3A_83 : vector<16xf32>
      %add3A_86 = arith.addf %mul3A_84, %mul3A_85 : vector<16xf32>
      %reduce_sum3A_87 = arith.constant true
      %reduce_sum3A_88 = vector.broadcast %reduce_sum3A_87 : i1 to vector<16xi1>
      %reduce_sum3A_89 = tpu.scan <sum>, %add3A_86 masked %reduce_sum3A_88 : vector<16xf32>, vector<16xi1> -> vector<16xf32>
      %reduce_sum3A_90 = vector.extract %reduce_sum3A_89[15] : f32 from vector<16xf32>
      %broadcast_in_dim3A_91 = vector.broadcast %reduce_sum3A_90 : f32 to vector<16xf32>
      %swap3A_92 = arith.index_cast %add3A_61 : i32 to index
      %swap3A_93 = tpu.vector_load %arg14[%swap3A_92] masked %eq3A_20 {strides = array<i32>} : memref<528xf32, #tpu.memory_space<vmem>>, vector<16xf32>, vector<16xi1>
      tpu.vector_store %arg14[%swap3A_92], %broadcast_in_dim3A_91 masked %eq3A_20 {strides = array<i32>} : memref<528xf32, #tpu.memory_space<vmem>>, vector<16xf32>, vector<16xi1>
      %mul3A_94 = arith.constant 4 : i32
      %mul3A_95 = arith.muli %scan3A_26, %mul3A_94 : i32
      %add3A_96 = arith.constant 2 : i32
      %add3A_97 = arith.addi %mul3A_95, %add3A_96 : i32
      %get3A_98 = arith.index_cast %add3A_97 : i32 to index
      %get3A_99 = arith.constant 0 : index
      %get3A_100 = tpu.vector_load %arg11[%get3A_98, %get3A_99] {strides = array<i32>} : memref<512x32xf32, #tpu.memory_space<vmem>>, vector<16xf32>,
      %get3A_101 = arith.index_cast %add3A_97 : i32 to index
      %get3A_102 = arith.constant 0 : index
      %get3A_103 = tpu.vector_load %arg12[%get3A_101, %get3A_102] {strides = array<i32>} : memref<512x32xf32, #tpu.memory_space<vmem>>, vector<16xf32>,
      %add3A_104 = arith.addf %get3A_100, %get3A_103 : vector<16xf32>
      %get3A_105 = arith.index_cast %add3A_97 : i32 to index
      %get3A_106 = arith.constant 0 : index
      %get3A_107 = tpu.vector_load %arg13[%get3A_105, %get3A_106] {strides = array<i32>} : memref<512x32xf32, #tpu.memory_space<vmem>>, vector<16xf32>,
      %sub3A_108 = arith.subf %add3A_104, %get3A_107 : vector<16xf32>
      %get3A_109 = arith.index_cast %add3A_97 : i32 to index
      %get3A_110 = arith.constant 16 : index
      %get3A_111 = tpu.vector_load %arg11[%get3A_109, %get3A_110] {strides = array<i32>} : memref<512x32xf32, #tpu.memory_space<vmem>>, vector<16xf32>,
      %get3A_112 = arith.index_cast %add3A_97 : i32 to index
      %get3A_113 = arith.constant 16 : index
      %get3A_114 = tpu.vector_load %arg12[%get3A_112, %get3A_113] {strides = array<i32>} : memref<512x32xf32, #tpu.memory_space<vmem>>, vector<16xf32>,
      %add3A_115 = arith.addf %get3A_111, %get3A_114 : vector<16xf32>
      %get3A_116 = arith.index_cast %add3A_97 : i32 to index
      %get3A_117 = arith.constant 16 : index
      %get3A_118 = tpu.vector_load %arg13[%get3A_116, %get3A_117] {strides = array<i32>} : memref<512x32xf32, #tpu.memory_space<vmem>>, vector<16xf32>,
      %sub3A_119 = arith.subf %add3A_115, %get3A_118 : vector<16xf32>
      %mul3A_120 = arith.mulf %sub3A_108, %sub3A_108 : vector<16xf32>
      %mul3A_121 = arith.mulf %sub3A_119, %sub3A_119 : vector<16xf32>
      %add3A_122 = arith.addf %mul3A_120, %mul3A_121 : vector<16xf32>
      %reduce_sum3A_123 = arith.constant true
      %reduce_sum3A_124 = vector.broadcast %reduce_sum3A_123 : i1 to vector<16xi1>
      %reduce_sum3A_125 = tpu.scan <sum>, %add3A_122 masked %reduce_sum3A_124 : vector<16xf32>, vector<16xi1> -> vector<16xf32>
      %reduce_sum3A_126 = vector.extract %reduce_sum3A_125[15] : f32 from vector<16xf32>
      %broadcast_in_dim3A_127 = vector.broadcast %reduce_sum3A_126 : f32 to vector<16xf32>
      %swap3A_128 = arith.index_cast %add3A_97 : i32 to index
      %swap3A_129 = tpu.vector_load %arg14[%swap3A_128] masked %eq3A_20 {strides = array<i32>} : memref<528xf32, #tpu.memory_space<vmem>>, vector<16xf32>, vector<16xi1>
      tpu.vector_store %arg14[%swap3A_128], %broadcast_in_dim3A_127 masked %eq3A_20 {strides = array<i32>} : memref<528xf32, #tpu.memory_space<vmem>>, vector<16xf32>, vector<16xi1>
      %mul3A_130 = arith.constant 4 : i32
      %mul3A_131 = arith.muli %scan3A_26, %mul3A_130 : i32
      %add3A_132 = arith.constant 3 : i32
      %add3A_133 = arith.addi %mul3A_131, %add3A_132 : i32
      %get3A_134 = arith.index_cast %add3A_133 : i32 to index
      %get3A_135 = arith.constant 0 : index
      %get3A_136 = tpu.vector_load %arg11[%get3A_134, %get3A_135] {strides = array<i32>} : memref<512x32xf32, #tpu.memory_space<vmem>>, vector<16xf32>,
      %get3A_137 = arith.index_cast %add3A_133 : i32 to index
      %get3A_138 = arith.constant 0 : index
      %get3A_139 = tpu.vector_load %arg12[%get3A_137, %get3A_138] {strides = array<i32>} : memref<512x32xf32, #tpu.memory_space<vmem>>, vector<16xf32>,
      %add3A_140 = arith.addf %get3A_136, %get3A_139 : vector<16xf32>
      %get3A_141 = arith.index_cast %add3A_133 : i32 to index
      %get3A_142 = arith.constant 0 : index
      %get3A_143 = tpu.vector_load %arg13[%get3A_141, %get3A_142] {strides = array<i32>} : memref<512x32xf32, #tpu.memory_space<vmem>>, vector<16xf32>,
      %sub3A_144 = arith.subf %add3A_140, %get3A_143 : vector<16xf32>
      %get3A_145 = arith.index_cast %add3A_133 : i32 to index
      %get3A_146 = arith.constant 16 : index
      %get3A_147 = tpu.vector_load %arg11[%get3A_145, %get3A_146] {strides = array<i32>} : memref<512x32xf32, #tpu.memory_space<vmem>>, vector<16xf32>,
      %get3A_148 = arith.index_cast %add3A_133 : i32 to index
      %get3A_149 = arith.constant 16 : index
      %get3A_150 = tpu.vector_load %arg12[%get3A_148, %get3A_149] {strides = array<i32>} : memref<512x32xf32, #tpu.memory_space<vmem>>, vector<16xf32>,
      %add3A_151 = arith.addf %get3A_147, %get3A_150 : vector<16xf32>
      %get3A_152 = arith.index_cast %add3A_133 : i32 to index
      %get3A_153 = arith.constant 16 : index
      %get3A_154 = tpu.vector_load %arg13[%get3A_152, %get3A_153] {strides = array<i32>} : memref<512x32xf32, #tpu.memory_space<vmem>>, vector<16xf32>,
      %sub3A_155 = arith.subf %add3A_151, %get3A_154 : vector<16xf32>
      %mul3A_156 = arith.mulf %sub3A_144, %sub3A_144 : vector<16xf32>
      %mul3A_157 = arith.mulf %sub3A_155, %sub3A_155 : vector<16xf32>
      %add3A_158 = arith.addf %mul3A_156, %mul3A_157 : vector<16xf32>
      %reduce_sum3A_159 = arith.constant true
      %reduce_sum3A_160 = vector.broadcast %reduce_sum3A_159 : i1 to vector<16xi1>
      %reduce_sum3A_161 = tpu.scan <sum>, %add3A_158 masked %reduce_sum3A_160 : vector<16xf32>, vector<16xi1> -> vector<16xf32>
      %reduce_sum3A_162 = vector.extract %reduce_sum3A_161[15] : f32 from vector<16xf32>
      %broadcast_in_dim3A_163 = vector.broadcast %reduce_sum3A_162 : f32 to vector<16xf32>
      %swap3A_164 = arith.index_cast %add3A_133 : i32 to index
      %swap3A_165 = tpu.vector_load %arg14[%swap3A_164] masked %eq3A_20 {strides = array<i32>} : memref<528xf32, #tpu.memory_space<vmem>>, vector<16xf32>, vector<16xi1>
      tpu.vector_store %arg14[%swap3A_164], %broadcast_in_dim3A_163 masked %eq3A_20 {strides = array<i32>} : memref<528xf32, #tpu.memory_space<vmem>>, vector<16xf32>, vector<16xi1>
    }
    %scan3A_25 = arith.constant 128 : i32
    "tpu.region"() ({
      %run_scoped3A = tpu.sem_alloc : memref<!tpu.dma_semaphore, #tpu.memory_space<semaphore_mem>>
      %dma_start3A_26 = arith.constant 0 : i32
      %dma_start3A_27 = tpu.memref_slice %arg14[%dma_start3A_26] : memref<528xf32, #tpu.memory_space<vmem>> -> memref<512xf32, #tpu.memory_space<vmem>>
      %dma_start3A_28 = tpu.memref_slice %arg7[%mul3A_2] : memref<16384xf32, #tpu.memory_space<hbm>> -> memref<512xf32, #tpu.memory_space<hbm>>
      %dma_start3A_29 = tpu.memref_slice %arg7[%mul3A_2] : memref<16384xf32, #tpu.memory_space<hbm>> -> memref<512xf32, #tpu.memory_space<hbm>>
      %dma_start3A_30 = arith.constant 0 : i32
      %dma_start3A_31 = tpu.memref_slice %arg14[%dma_start3A_30] : memref<528xf32, #tpu.memory_space<vmem>> -> memref<512xf32, #tpu.memory_space<vmem>>
      tpu.enqueue_dma source(%dma_start3A_31 : memref<512xf32, #tpu.memory_space<vmem>>) target(%dma_start3A_29 : memref<512xf32, #tpu.memory_space<hbm>>) target_semaphore(%run_scoped3A : memref<!tpu.dma_semaphore, #tpu.memory_space<semaphore_mem>>)
      %dma_wait3A_32 = arith.constant 0 : i32
      %dma_wait3A_33 = tpu.memref_slice %arg14[%dma_wait3A_32] : memref<528xf32, #tpu.memory_space<vmem>> -> memref<512xf32, #tpu.memory_space<vmem>>
      %dma_wait3A_34 = tpu.memref_slice %arg7[%mul3A_2] : memref<16384xf32, #tpu.memory_space<hbm>> -> memref<512xf32, #tpu.memory_space<hbm>>
      %dma_wait3A_35 = tpu.memref_slice %arg7[%mul3A_2] : memref<16384xf32, #tpu.memory_space<hbm>> -> memref<512xf32, #tpu.memory_space<hbm>>
      %dma_wait3A_36 = arith.constant 0 : i32
      %dma_wait3A_37 = tpu.memref_slice %arg14[%dma_wait3A_36] : memref<528xf32, #tpu.memory_space<vmem>> -> memref<512xf32, #tpu.memory_space<vmem>>
      tpu.wait_dma2 semaphore(%run_scoped3A : memref<!tpu.dma_semaphore, #tpu.memory_space<semaphore_mem>>) src(%dma_wait3A_37 : memref<512xf32, #tpu.memory_space<vmem>>) dst(%dma_wait3A_35 : memref<512xf32, #tpu.memory_space<hbm>>)
      tpu.yield
    }) : () -> ()
    return
  }
}

</mosaic_0001>

<sc_bundles>
// kernel: kernel.3.cloned.1.call-start
scs
__scs_entry_jumppad:
0x0: {  	(pc) =	sbr.rel $0x88, $3  }
0x1: {  	(tag) =	ssettag $0x0;
	lr =	simm.s32 $0x1  }
0x2: {  	[smem:$0x3F9C] =	sst lr;
	_ =	strace $0xD0000000  }
0x3: {  	_ = 	snop  }
0x4: {  	_ = 	snop  }
0x5: {  	_ = 	snop  }
0x6: {  	_ = 	snop  }
0x7: {  	_ = 	snop  }
__scs_overlays_trampoline_lowered:
0x8: {  	[smem:$0x3FAB] =	sst s0  }
0x9: {  	[smem:$0x3FAC] =	sst s1  }
0xa: {  	[smem:$0x3FAD] =	sst s2  }
0xb: {  	[smem:$0x3FAE] =	sst s3  }
0xc: {  	[smem:$0x3FAF] =	sst s4  }
0xd: {  	[smem:$0x3FB0] =	sst s5  }
0xe: {  	[smem:$0x3FB1] =	sst s6  }
0xf: {  	[smem:$0x3FB2] =	sst s7  }
0x10: {  	[smem:$0x3FB3] =	sst s8  }
0x11: {  	[smem:$0x3FB4] =	sst s9;
	s0 =	simm.s32 @!p0 $0x0  }
0x12: {  	s1 =	sld [smem:$0x3F9A];
	s0 =	simm.s32 @p0 $0x1  }
0x13: {  	[smem:$0x3FB5] =	sst s0;
	s0 =	simm.s32 @!p1 $0x0  }
0x14: {  	s2 =	sld [smem:$0x3F99];
	s0 =	simm.s32 @p1 $0x1  }
0x15: {  	[smem:$0x3FB6] =	sst s0;
	s0 =	simm.s32 @!p2 $0x0  }
0x16: {  	s3 =	sld [smem:$0x3FDB];
	s0 =	simm.s32 @p2 $0x1  }
0x17: {  	s4 =	simm.s32 $0x1BF5;
	[smem:$0x3FB8] =	sst s0  }
0x18: {  	s0 =	sld [smem:$0x3F9B];
	_ =	swait.ge [sflag:s4], $0x0  }
0x19: {  	s7 =	sld [smem:$0x3F9C]  }
0x1a: {  	s8 =	sadd.s32 $0xFFFFE003, lr  }
0x1b: {  	s9 =	sadd.s32 $0xFFFFFEF7, lr;
	s5 =	simm.s32 $0xFFFFFFFF;
	p2 =	slt.u32 s8, $0xFFFFF086  }
0x1c: {  	p1 =	slt.u32 s9, $0xF7A;
	s5 =	simm.s32 @!p2 $0x0  }
0x1d: {  	s5 =	simm.s32 @p1 $0x1;
	p0 =	seq.s32 s7, s2  }
0x1e: {  	s7 =	smul.u32 @!p0 $0xF7A, s2;
	p2 =	seq.s32 @!p0 s5, $0x0  }
0x1f: {  	s9 =	smul.u32 $0xF7A, s1;
	s8 =	simm.s32 @!p0 $0x1BF5;
	p2 =	por !p2, p0  }
0x20: {  	[sflag:s8] =	ssyncset.s32 @!p0 $0xFFFFF086;
	s6 =	sadd.s32 @!p0 s3, s7;
	s7 =	simm.s32 @!p0 $0x108  }
0x21: {  	s3 =	sadd.s32 s3, s9;
	s6 =	sadd.s32 @!p0 $0x88, s6;
	s7 =	simm.s32 @p2 $0x1082  }
0x22: {  	[simem:s7], [sflag:s8] =	dma.local @!p0 [hbm:s6], $0xF7A  }
0x23: {  	s9 =	sor.u32 $0xD0000000, s2;
	s6 =	simm.s32 $0x108;
	_ =	swait.ge @!p0 [sflag:s8], $0x0  }
0x24: {  	s3 =	sadd.s32 $0x88, s3;
	s6 =	simm.s32 @!p1 $0x1082;
	[sflag:s4] =	ssyncset.s32 $0xFFFFF086  }
0x25: {  	[simem:s6], [sflag:s4] =	dma.local [hbm:s3], $0xF7A  }
0x26: {  	[smem:$0x3F9C] =	sst s1;
	(tag) =	ssettag s2;
	_ =	strace s9  }
0x27: {  	s1 =	sld [smem:$0x3FAC]  }
0x28: {  	s2 =	sld [smem:$0x3FAD]  }
0x29: {  	s4 =	sld [smem:$0x3FAF]  }
0x2a: {  	p0 =	seq.s32 s5, $0x0;
	s5 =	sld [smem:$0x3FB0]  }
0x2b: {  	s6 =	sld [smem:$0x3FB1]  }
0x2c: {  	s7 =	sld [smem:$0x3FB2]  }
0x2d: {  	s3 =	simm.s32 $0x108;
	s8 =	sld [smem:$0x3FB3]  }
0x2e: {  	s3 =	simm.s32 @!p0 $0x1082;
	s9 =	sld [smem:$0x3FB4]  }
0x2f: {  	lr =	sadd.s32 s0, s3;
	s0 =	sld [smem:$0x3FAB]  }
0x30: {  	s3 =	sld [smem:$0x3FAE]  }
0x31: {  	[smem:$0x3FB7] =	sst s10  }
0x32: {  	s10 =	sld [smem:$0x3FB5];
	_ =	sdelay $0x3  }
0x33: {  	p0 =	seq.s32 s10, $0x1;
	s10 =	sld [smem:$0x3FB7];
	_ =	sdelay $0x3  }
0x34: {  	[smem:$0x3FB7] =	sst s10  }
0x35: {  	s10 =	sld [smem:$0x3FB6];
	_ =	sdelay $0x3  }
0x36: {  	p1 =	seq.s32 s10, $0x1;
	s10 =	sld [smem:$0x3FB7];
	_ =	sdelay $0x3  }
0x37: {  	[smem:$0x3FB7] =	sst s10  }
0x38: {  	s10 =	sld [smem:$0x3FB8]  }
0x39: {  	_ = 	snop;
	(pc) =	sbr.ind lr, $3  }
0x3a: {  	_ = 	snop  }
0x3b: {  	_ = 	snop  }
0x3c: {  	p2 =	seq.s32 s10, $0x1;
	s10 =	sld [smem:$0x3FB7]  }
0x3d: {  	_ =	shalt  }
0x3e: {  	_ =	shalt  }
0x3f: {  	_ =	shalt  }
0x40: {  	_ =	shalt  }
0x41: {  	_ =	shalt  }
0x42: {  	_ =	shalt  }
0x43: {  	_ =	shalt  }
0x44: {  	_ =	shalt  }
0x45: {  	_ =	shalt  }
0x46: {  	_ =	shalt  }
0x47: {  	_ =	shalt  }
0x48: {  	_ =	shalt  }
0x49: {  	_ =	shalt  }
0x4a: {  	_ =	shalt  }
0x4b: {  	_ =	shalt  }
0x4c: {  	_ =	shalt  }
0x4d: {  	_ =	shalt  }
0x4e: {  	_ =	shalt  }
0x4f: {  	_ =	shalt  }
0x50: {  	_ =	shalt  }
0x51: {  	_ =	shalt  }
0x52: {  	_ =	shalt  }
0x53: {  	_ =	shalt  }
0x54: {  	_ =	shalt  }
0x55: {  	_ =	shalt  }
0x56: {  	_ =	shalt  }
0x57: {  	_ =	shalt  }
0x58: {  	_ =	shalt  }
0x59: {  	_ =	shalt  }
0x5a: {  	_ =	shalt  }
0x5b: {  	_ =	shalt  }
0x5c: {  	_ =	shalt  }
0x5d: {  	_ =	shalt  }
0x5e: {  	_ =	shalt  }
0x5f: {  	_ =	shalt  }
0x60: {  	_ =	shalt  }
0x61: {  	_ =	shalt  }
0x62: {  	_ =	shalt  }
0x63: {  	_ =	shalt  }
0x64: {  	_ =	shalt  }
0x65: {  	_ =	shalt  }
0x66: {  	_ =	shalt  }
0x67: {  	_ =	shalt  }
0x68: {  	_ =	shalt  }
0x69: {  	_ =	shalt  }
0x6a: {  	_ =	shalt  }
0x6b: {  	_ =	shalt  }
0x6c: {  	_ =	shalt  }
0x6d: {  	_ =	shalt  }
0x6e: {  	_ =	shalt  }
0x6f: {  	_ =	shalt  }
0x70: {  	_ =	shalt  }
0x71: {  	_ =	shalt  }
0x72: {  	_ =	shalt  }
0x73: {  	_ =	shalt  }
0x74: {  	_ =	shalt  }
0x75: {  	_ =	shalt  }
0x76: {  	_ =	shalt  }
0x77: {  	_ =	shalt  }
0x78: {  	_ =	shalt  }
0x79: {  	_ =	shalt  }
0x7a: {  	_ =	shalt  }
0x7b: {  	_ =	shalt  }
0x7c: {  	_ =	shalt  }
0x7d: {  	_ =	shalt  }
0x7e: {  	_ =	shalt  }
0x7f: {  	_ =	shalt  }
0x80: {  	_ =	shalt  }
0x81: {  	_ =	shalt  }
0x82: {  	_ =	shalt  }
0x83: {  	_ =	shalt  }
0x84: {  	_ =	shalt  }
0x85: {  	_ =	shalt  }
0x86: {  	_ =	shalt  }
0x87: {  	_ =	shalt  }
.Lfunc_end0:
.L_simem_size_0:
called_computation_lowered:
.L_overlay_start_0:
0x88: {  	s2 =	sld [smem:$0x3FD9]  }
0x89: {  	s3 =	sld [smem:$0x3FFE];
	_ =	sdelay $0x1  }
0x8a: {  	s1 =	srdreg.scid  }
0x8b: {  	s0 =	sand.u32 $0x1, s1  }
0x8c: {  	s17 =	sshll.u32 s0, $0xA;
	s2 =	sadd.s32 s3, s2  }
0x8d: {  	s2 =	sadd.s32 s2, s17  }
0x8e: {  	[smem:$0x3FC3] =	sst s2  }
0x8f: {  	_ = 	snop  }
0x90: {  	s2 =	sld [smem:$0x3FC9]  }
0x91: {  	s18 =	sld [smem:$0x3FC8]  }
0x92: {  	s4 =	sld [smem:$0x3FC7]  }
0x93: {  	s5 =	sld [smem:$0x3FD0];
	(tm) =	ssettm $0x1  }
0x94: {  	s6 =	sld [smem:$0x3FFB];
	_ =	sdelay $0x3  }
0x95: {  	_ =	strace s6  }
0x96: {  	s6 =	sld [smem:$0x3FFC];
	_ =	sdelay $0x3  }
0x97: {  	_ =	strace s6  }
0x98: {  	s6 =	sld [smem:$0x3FFD];
	_ =	sdelay $0x3  }
0x99: {  	_ =	strace s6  }
0x9a: {  	_ =	strace $0x8FFFFFFF  }
0x9b: {  	s19 =	sld [smem:$0x3FDB];
	_ =	sdelay $0x1  }
0x9c: {  	s7 =	simm.s32 $_scs_section_size  }
0x9d: {  	s8 =	simm.s32 $_size__tile_overlayer_lowered;
	s9 =	simm.s32 $_tile_overlayer_lowered  }
0x9e: {  	s22 =	simm.s32 $0x1BFF;
	s21 =	sshll.u32 s9, $0x1;
	s6 =	sadd.s32 s7, s19  }
0x9f: {  	s10 =	simm.s32 $0x0;
	s20 =	sshll.u32 s8, $0x1;
	s8 =	sadd.s32 s21, s6  }
0xa0: {  	[timem:s10], [sflag:s22] =	dma.local [hbm:s8], s20  }
0xa1: {  	_ =	swait.ge [sflag:s22], s20  }
0xa2: {  	s7 =	ssub.s32 $0x0, s20;
	[sflag:s22] =	ssyncset.done $0x0  }
0xa3: {  	[sflag:s22] =	ssyncadd.s32 s7;
	_ =	sdelay $0x1  }
0xa4: {  	s23 =	simm.s32 $0x1B8B  }
0xa5: {  	_ =	swait.ge [sflag:s23], $0x1  }
0xa6: {  	[sflag:s23] =	ssyncset.done $0x0  }
0xa7: {  	s25 =	simm.s32 $0x1B8E;
	s24 =	sld [smem:$0x3FFE];
	[sflag:s23] =	ssyncadd.s32 $0xFFFFFFFF  }
0xa8: {  	s26 =	simm.s32 $execute0_lowered;
	[smem:$0x3FD2] =	sst s25  }
0xa9: {  	s8 =	sshll.u32 s26, $0x1;
	_ =	strace $0x80000046;
	[dreg:$0x1] =	wrdreg $0xFFFFFFFF  }
0xaa: {  	s28 =	simm.s32 $_size_execute0_lowered;
	s6 =	sadd.s32 s6, s8;
	[dreg:$0x0] =	wrdreg $0x0  }
0xab: {  	s8 =	sshll.u32 s28, $0x1;
	[dreg:$0x2] =	wrdreg s6  }
0xac: {  	[dreg:$0x3] =	wrdreg s8  }
0xad: {  	[dreg:$0x4] =	wrdreg $0xC0  }
0xae: {  	_ =	task [dreg:s10], $0x5FFFF  }
0xaf: {  	[dreg:$0x1] =	wrdreg $0xFFFFFFFF  }
0xb0: {  	[dreg:$0x0] =	wrdreg $0x60  }
0xb1: {  	[dreg:$0x2] =	wrdreg s2  }
0xb2: {  	[dreg:$0x3] =	wrdreg s18  }
0xb3: {  	[dreg:$0x4] =	wrdreg s4  }
0xb4: {  	[dreg:$0x5] =	wrdreg s24  }
0xb5: {  	[dreg:$0x6] =	wrdreg s5  }
0xb6: {  	[dreg:$0x7] =	wrdreg $0x9  }
0xb7: {  	_ =	task.clear_ibuf [dreg:s10], $0x8FFFF;
	_ =	strace $0x90000046  }
0xb8: {  	s29 =	simm.s32 $0x9;
	_ =	strace $0x80000048  }
0xb9: {  	_ =	swait.ge [sflag:s29], $0x1  }
0xba: {  	[sflag:s29] =	ssyncadd.s32 $0xFFFFFFFF  }
0xbb: {  	_ =	strace $0x90000048  }
0xbc: {  	_ =	sfence  }
0xbd: {  	s30 =	sld [smem:$0x0];
	_ =	sdelay $0x2  }
0xbe: {  	s31 =	sshll.u32 s1, $0xD;
	s1 =	sshrl.u32 s1, $0x2  }
0xbf: {  	s3 =	sand.u32 $0x4000, s31;
	s1 =	sadd.s32 s1, s30  }
0xc0: {  	s0 =	sor.u32 s3, s0;
	s1 =	sshll.u32 s1, $0x11  }
0xc1: {  	s0 =	sor.u32 s1, s0  }
0xc2: {  	s0 =	sadd.s32 $0x8F2B, s0  }
0xc3: {  	[sflag:s0] =	ssyncadd.remote.s32 $0x1  }
0xc4: {  	_ =	sfence.sel $0xFFFF  }
0xc5: {  	[dreg:$0x0] =	wrdreg $0xFFFFFFFF;
	(pc) =	sbr.abs _section_cstart, $3  }
0xc6: {  	[dreg:$0x1] =	wrdreg $0xFFFFFFFF  }
0xc7: {  	_ =	task.clear_ibuf [dreg:s10], $0x2FFFF;
	_ =	strace $0x9FFFFFFF  }
0xc8: {  	(tm) =	ssettm $0x7FFFFFFF  }
0xc9: {  	_ =	shalt  }
tec
execute0_lowered:
.L_overlay_start_1:
0x0: {  	(tag) =	ssettag $0x1  }
0x1: {  	s5 =	rddreg [dreg:$0x0]  }
0x2: {  	s6 =	rddreg [dreg:$0x1]  }
0x3: {  	s7 =	rddreg [dreg:$0x2]  }
0x4: {  	s4 =	rddreg [dreg:$0x3]  }
0x5: {  	s8 =	rddreg [dreg:$0x4]  }
0x6: {  	s0 =	rddreg [dreg:$0x5];
	s1 =	simm.s32 $0x0  }
0x7: {  	s9 =	srdreg.scid;
	s2 =	stileid.u32;
	s13 =	simm.s32 $0x600  }
0x8: {  	s14 =	simm.s32 $0x4600;
	s15 =	simm.s32 $0x8600;
	s16 =	simm.s32 $0x1  }
0x9: {  	s17 =	simm.s32 $0xC600;
	s18 =	simm.s32 $0x0;
	[smem:$0x7FF] =	sst s1  }
0xa: {  	s3 =	sadd.s32 $0xF42A00, s4;
	s9 =	sand.u32 $0x1, s9;
	s11 =	sshll.u32 s2, $0x7  }
0xb: {  	s4 =	sadd.s32 $0x600, s4;
	s10 =	ssub.s32 $0x2, s9;
	s9 =	sshll.u32 s9, $0x6  }
0xc: {  	_ =	strace $0x80000047;
	s12 =	sshrl.u32 s10, $0x1;
	s9 =	sor.u32 s9, s11  }
0xd: {  	s11 =	simm.s32 $0x200;
	s10 =	ssub.s32 s10, s12;
	s5 =	sadd.s32 s5, s9  }
0xe: {  	s6 =	sadd.s32 s6, s9;
	s7 =	sadd.s32 s7, s9;
	s8 =	sadd.s32 s8, s9  }
0xf: {  	s12 =	simm.s32 $0x400;
	s9 =	smax.u32 s10, $0x1;
	s10 =	simm.s32 $0x2  }
.LBB2_1:
0x10: {  	[tilespmem:s1], [sflag:$0x2] =	stream.linear.gather [hbm4b:s5+s1], $0x200, $0x38;
	[tilespmem:$0xC810] =	vst v63  }
0x11: {  	_ =	swait.ge [sflag:s10], $0x200  }
0x12: {  	[sflag:s10] =	ssyncset.done $0x0  }
0x13: {  	[sflag:s10] =	ssyncadd.s32 $0xFFFFFE00  }
0x14: {  	[tilespmem:s11], [sflag:$0x2] =	stream.linear.gather [hbm4b:s6+s1], $0x200, $0x38;
	[tilespmem:$0xC810] =	vst v63  }
0x15: {  	_ =	swait.ge [sflag:s10], $0x200  }
0x16: {  	[sflag:s10] =	ssyncset.done $0x0  }
0x17: {  	[sflag:s10] =	ssyncadd.s32 $0xFFFFFE00  }
0x18: {  	[tilespmem:s12], [sflag:$0x2] =	stream.linear.gather [hbm4b:s7+s1], $0x200, $0x38;
	[tilespmem:$0xC810] =	vst v63  }
0x19: {  	_ =	swait.ge [sflag:s10], $0x200  }
0x1a: {  	[sflag:s10] =	ssyncset.done $0x0  }
0x1b: {  	[sflag:s10] =	ssyncadd.s32 $0xFFFFFE00  }
0x1c: {  	[tilespmem:s13], [sflag:$0x1] =	stream.indirect.gather [hbm4b:s3+s11], $0x20, s1, s11, $0xb8;
	[tilespmem:$0xC810] =	vst v63  }
0x1d: {  	_ = 	snop  }
0x1e: {  	[tilespmem:s14], [sflag:$0x1] =	stream.indirect.gather [hbm4b:s4+s11], $0x20, s11, s11, $0xb8;
	[tilespmem:$0xC810] =	vst v63  }
0x1f: {  	_ = 	snop  }
0x20: {  	[tilespmem:s15], [sflag:$0x1] =	stream.indirect.gather [hbm4b:s3+s11], $0x20, s12, s11, $0xb8;
	[tilespmem:$0xC810] =	vst v63  }
0x21: {  	_ =	swait.ge [sflag:s16], $0x4000  }
0x22: {  	[sflag:s16] =	ssyncset.done $0x0  }
0x23: {  	[sflag:s16] =	ssyncadd.s32 $0xFFFFC000  }
0x24: {  	_ =	swait.ge [sflag:s16], $0x4000  }
0x25: {  	[sflag:s16] =	ssyncset.done $0x0  }
0x26: {  	[sflag:s16] =	ssyncadd.s32 $0xFFFFC000  }
0x27: {  	_ =	swait.ge [sflag:s16], $0x4000  }
0x28: {  	[sflag:s16] =	ssyncset.done $0x0  }
0x29: {  	s20 =	simm.s32 $0x0;
	[sflag:s16] =	ssyncadd.s32 $0xFFFFC000  }
0x2a: {  	v0 =	vld [tilespmem:s20+$0x4610]  }
0x2b: {  	v1 =	vld [tilespmem:s20+$0x600]  }
0x2c: {  	v2 =	vld [tilespmem:s20+$0x610]  }
0x2d: {  	v3 =	vld [tilespmem:s20+$0x4600]  }
0x2e: {  	v4 =	vld [tilespmem:s20+$0x8610]  }
0x2f: {  	v5 =	vld [tilespmem:s20+$0x8600];
	_ =	sdelay $0x2  }
0x30: {  	v0 =	vadd.f32 v0, v2;
	v1 =	vadd.f32 v3, v1;
	_ =	sdelay $0x1  }
0x31: {  	v0 =	vsub.f32 v0, v4;
	v1 =	vsub.f32 v1, v5;
	_ =	sdelay $0x1  }
0x32: {  	v0 =	vmul.f32 v0, v0;
	v1 =	vmul.f32 v1, v1;
	_ =	sdelay $0x1  }
0x33: {  	v0 =	vadd.f32 v0, v1;
	_ =	sdelay $0x1  }
0x34: {  	(xrf2) =	vadd.scan.msk.f32 $0xffff, v0;
	_ =	sdelay $0x9  }
0x35: {  	v0, _, _ =	vpop (xrf2)  }
0x36: {  	v0 =	vbroadcast v0, $0xF  }
0x37: {  	s19 =	simm.s32 $0xC602  }
0x38: {  	[tilespmem:s19+$0xFFFFFFFE] =	vst.msk $0x1, v0  }
0x39: {  	v0 =	vld [tilespmem:s20+$0x620]  }
0x3a: {  	v1 =	vld [tilespmem:s20+$0x4630]  }
0x3b: {  	v2 =	vld [tilespmem:s20+$0x4620]  }
0x3c: {  	v3 =	vld [tilespmem:s20+$0x630]  }
0x3d: {  	v58 =	vld [tilespmem:s20+$0x8630]  }
0x3e: {  	v59 =	vld [tilespmem:s20+$0x8620];
	_ =	sdelay $0x2  }
0x3f: {  	v0 =	vadd.f32 v2, v0;
	v1 =	vadd.f32 v1, v3;
	_ =	sdelay $0x1  }
0x40: {  	v0 =	vsub.f32 v0, v59;
	v1 =	vsub.f32 v1, v58;
	_ =	sdelay $0x1  }
0x41: {  	v0 =	vmul.f32 v0, v0;
	v1 =	vmul.f32 v1, v1;
	_ =	sdelay $0x1  }
0x42: {  	v0 =	vadd.f32 v1, v0;
	_ =	sdelay $0x1  }
0x43: {  	(xrf2) =	vadd.scan.msk.f32 $0xffff, v0;
	_ =	sdelay $0x9  }
0x44: {  	v0, _, _ =	vpop (xrf2)  }
0x45: {  	v0 =	vbroadcast v0, $0xF;
	_ =	sdelay $0x1  }
0x46: {  	[tilespmem:s19+$0xFFFFFFFF] =	vst.msk $0x1, v0  }
0x47: {  	v0 =	vld [tilespmem:s20+$0x640]  }
0x48: {  	v1 =	vld [tilespmem:s20+$0x4640]  }
0x49: {  	v2 =	vld [tilespmem:s20+$0x650]  }
0x4a: {  	v3 =	vld [tilespmem:s20+$0x4650]  }
0x4b: {  	v60 =	vld [tilespmem:s20+$0x8640]  }
0x4c: {  	v61 =	vld [tilespmem:s20+$0x8650];
	_ =	sdelay $0x2  }
0x4d: {  	v0 =	vadd.f32 v1, v0;
	v1 =	vadd.f32 v3, v2;
	_ =	sdelay $0x1  }
0x4e: {  	v0 =	vsub.f32 v0, v60;
	v1 =	vsub.f32 v1, v61;
	_ =	sdelay $0x1  }
0x4f: {  	v0 =	vmul.f32 v0, v0;
	v1 =	vmul.f32 v1, v1;
	_ =	sdelay $0x1  }
0x50: {  	v0 =	vadd.f32 v1, v0;
	_ =	sdelay $0x1  }
0x51: {  	(xrf2) =	vadd.scan.msk.f32 $0xffff, v0;
	_ =	sdelay $0x9  }
0x52: {  	v0, _, _ =	vpop (xrf2)  }
0x53: {  	v0 =	vbroadcast v0, $0xF;
	_ =	sdelay $0x1  }
0x54: {  	[tilespmem:s19+$0x0] =	vst.msk $0x1, v0  }
0x55: {  	v0 =	vld [tilespmem:s20+$0x660]  }
0x56: {  	v1 =	vld [tilespmem:s20+$0x4670]  }
0x57: {  	v2 =	vld [tilespmem:s20+$0x4660]  }
0x58: {  	v3 =	vld [tilespmem:s20+$0x670]  }
0x59: {  	v62 =	vld [tilespmem:s20+$0x8660]  }
0x5a: {  	v63 =	vld [tilespmem:s20+$0x8670];
	_ =	sdelay $0x2  }
0x5b: {  	v0 =	vadd.f32 v2, v0;
	v1 =	vadd.f32 v1, v3;
	_ =	sdelay $0x1  }
0x5c: {  	v0 =	vsub.f32 v0, v62;
	v1 =	vsub.f32 v1, v63;
	_ =	sdelay $0x1  }
0x5d: {  	v0 =	vmul.f32 v0, v0;
	v1 =	vmul.f32 v1, v1;
	_ =	sdelay $0x1  }
0x5e: {  	s21 =	simm.s32 $0x200;
	s20 =	simm.s32 $0xC602;
	v0 =	vadd.f32 v1, v0  }
.LBB2_2:
0x5f: {  	p0 =	sne.s32 s21, $0xFE00  }
0x60: {  	s19 =	sadd.s32 $0x4, s19;
	s22 =	smov.u32 s21;
	s21 =	sadd.s32 $0x200, s21;
	(xrf2) =	vadd.scan.msk.f32 $0xffff, v0  }
0x61: {  	_ =	sdelay $0x8  }
0x62: {  	v0, _, _ =	vpop (xrf2)  }
0x63: {  	v0 =	vbroadcast v0, $0xF;
	_ =	sdelay $0x1  }
0x64: {  	s22 =	sshra.s32 s22, $0x2;
	[tilespmem:s20+$0x1] =	vst.msk $0x1, v0;
	s20 =	smov.u32 s19  }
0x65: {  	v0 =	vld [tilespmem:s22+$0x4610]  }
0x66: {  	v1 =	vld [tilespmem:s22+$0x600]  }
0x67: {  	v2 =	vld [tilespmem:s22+$0x610]  }
0x68: {  	v3 =	vld [tilespmem:s22+$0x4600]  }
0x69: {  	v4 =	vld [tilespmem:s22+$0x8610]  }
0x6a: {  	v5 =	vld [tilespmem:s22+$0x8600];
	_ =	sdelay $0x1  }
0x6b: {  	v0 =	vadd.f32 v0, v2  }
0x6c: {  	v1 =	vadd.f32 v3, v1  }
0x6d: {  	v0 =	vsub.f32 v0, v4  }
0x6e: {  	v1 =	vsub.f32 v1, v5  }
0x6f: {  	v0 =	vmul.f32 v0, v0  }
0x70: {  	v1 =	vmul.f32 v1, v1;
	_ =	sdelay $0x1  }
0x71: {  	v0 =	vadd.f32 v0, v1;
	_ =	sdelay $0x1  }
0x72: {  	(xrf2) =	vadd.scan.msk.f32 $0xffff, v0;
	_ =	sdelay $0x9  }
0x73: {  	v0, _, _ =	vpop (xrf2)  }
0x74: {  	v0 =	vbroadcast v0, $0xF;
	_ =	sdelay $0x1  }
0x75: {  	[tilespmem:s19+$0xFFFFFFFE] =	vst.msk $0x1, v0  }
0x76: {  	v0 =	vld [tilespmem:s22+$0x620]  }
0x77: {  	v1 =	vld [tilespmem:s22+$0x4630]  }
0x78: {  	v2 =	vld [tilespmem:s22+$0x4620]  }
0x79: {  	v3 =	vld [tilespmem:s22+$0x630]  }
0x7a: {  	v4 =	vld [tilespmem:s22+$0x8630]  }
0x7b: {  	v5 =	vld [tilespmem:s22+$0x8620];
	_ =	sdelay $0x1  }
0x7c: {  	v0 =	vadd.f32 v2, v0  }
0x7d: {  	v1 =	vadd.f32 v1, v3;
	_ =	sdelay $0x1  }
0x7e: {  	v0 =	vsub.f32 v0, v5;
	v1 =	vsub.f32 v1, v4;
	_ =	sdelay $0x1  }
0x7f: {  	v0 =	vmul.f32 v0, v0;
	v1 =	vmul.f32 v1, v1;
	_ =	sdelay $0x1  }
0x80: {  	v0 =	vadd.f32 v1, v0;
	_ =	sdelay $0x1  }
0x81: {  	(xrf2) =	vadd.scan.msk.f32 $0xffff, v0;
	_ =	sdelay $0x9  }
0x82: {  	v0, _, _ =	vpop (xrf2)  }
0x83: {  	v0 =	vbroadcast v0, $0xF;
	_ =	sdelay $0x1  }
0x84: {  	[tilespmem:s19+$0xFFFFFFFF] =	vst.msk $0x1, v0  }
0x85: {  	v0 =	vld [tilespmem:s22+$0x8640]  }
0x86: {  	v1 =	vld [tilespmem:s22+$0x640]  }
0x87: {  	v2 =	vld [tilespmem:s22+$0x4640]  }
0x88: {  	v3 =	vld [tilespmem:s22+$0x650]  }
0x89: {  	v4 =	vld [tilespmem:s22+$0x4650];
	_ =	sdelay $0x1  }
0x8a: {  	v5 =	vld [tilespmem:s22+$0x8650]  }
0x8b: {  	v1 =	vadd.f32 v2, v1;
	_ =	sdelay $0x1  }
0x8c: {  	v0 =	vsub.f32 v1, v0;
	v1 =	vadd.f32 v4, v3;
	_ =	sdelay $0x1  }
0x8d: {  	v1 =	vsub.f32 v1, v5;
	_ =	sdelay $0x1  }
0x8e: {  	v0 =	vmul.f32 v0, v0;
	v1 =	vmul.f32 v1, v1;
	_ =	sdelay $0x1  }
0x8f: {  	v0 =	vadd.f32 v1, v0;
	_ =	sdelay $0x1  }
0x90: {  	(xrf2) =	vadd.scan.msk.f32 $0xffff, v0;
	_ =	sdelay $0x9  }
0x91: {  	v0, _, _ =	vpop (xrf2)  }
0x92: {  	v0 =	vbroadcast v0, $0xF;
	_ =	sdelay $0x1  }
0x93: {  	[tilespmem:s19+$0x0] =	vst.msk $0x1, v0  }
0x94: {  	v0 =	vld [tilespmem:s22+$0x660]  }
0x95: {  	v1 =	vld [tilespmem:s22+$0x4670]  }
0x96: {  	v2 =	vld [tilespmem:s22+$0x4660]  }
0x97: {  	v3 =	vld [tilespmem:s22+$0x670]  }
0x98: {  	v4 =	vld [tilespmem:s22+$0x8660]  }
0x99: {  	v5 =	vld [tilespmem:s22+$0x8670];
	_ =	sdelay $0x1  }
0x9a: {  	v0 =	vadd.f32 v2, v0  }
0x9b: {  	v1 =	vadd.f32 v1, v3  }
0x9c: {  	v0 =	vsub.f32 v0, v4  }
.Ltmp0:
0x9d: {  	v1 =	vsub.f32 v1, v5;
	(pc) =	sbr.rel @p0 .LBB2_2-.Ltmp0, $3  }
0x9e: {  	_ = 	snop  }
0x9f: {  	v0 =	vmul.f32 v0, v0;
	v1 =	vmul.f32 v1, v1;
	_ =	sdelay $0x1  }
0xa0: {  	v0 =	vadd.f32 v1, v0  }
0xa1: {  	_ = 	snop  }
0xa2: {  	(xrf2) =	vadd.scan.msk.f32 $0xffff, v0;
	_ =	sdelay $0x9  }
0xa3: {  	v0, _, _ =	vpop (xrf2)  }
0xa4: {  	s18 =	sadd.s32 $0x1, s18;
	v0 =	vbroadcast v0, $0xF  }
0xa5: {  	p0 =	sne.s32 s18, s9  }
.Ltmp1:
0xa6: {  	[tilespmem:s20+$0x1] =	vst.msk $0x1, v0;
	(pc) =	sbr.rel @p0 .LBB2_1-.Ltmp1, $4  }
0xa7: {  	[hbm4b:s8+s1] =	stream.linear.scatter [tilespmem:s17], [sflag:$0x2], $0x200, $0x38;
	[tilespmem:$0xC810] =	vst v63  }
0xa8: {  	_ =	swait.ge [sflag:s10], $0x200  }
0xa9: {  	[sflag:s10] =	ssyncset.done $0x0  }
0xaa: {  	[sflag:s10] =	ssyncadd.s32 $0xFFFFFE00  }
0xab: {  	_ =	sfence.sel $0x180000  }
0xac: {  	[bflag:$0x0] =	sbarrier.arrive $0xFFFF  }
0xad: {  	p0 =	sne.s32 s2, $0x0;
	_ =	strace $0x90000047  }
0xae: {  	s0 =	sadd.s32 @!p0 $0x100000, s0;
	[bflag:$0x2] =	sbarrier.arrive $0xFFFF  }
0xaf: {  	[sflag:s0] =	ssyncadd.tile.s32 @!p0 $0x1;
	_ =	shalt  }
.Lfunc_end2:
_tile_overlayer_lowered:
.L_overlay_start_2:
0xb0: {  	(tag) =	ssettag $0x2  }
0xb1: {  	s0 =	rddreg [dreg:$0x0];
	s2 =	stileid.u32  }
0xb2: {  	s1 =	rddreg [dreg:$0x1];
	p0 =	sne.s32 s2, $0x0  }
0xb3: {  	s3 =	rddreg [dreg:$0x2];
	[bflag:$0x3] =	sbarrier.arrive $0xFFFF;
	s2 =	simm.s32 @!p0 $0x1C02  }
0xb4: {  	[timem:s3], [sflag:s2] =	dma.local @!p0 [hbm:s0], s1  }
0xb5: {  	s0 =	simm.s32 @!p0 $0x2  }
0xb6: {  	_ =	swait.ge @!p0 [sflag:s0], s1  }
0xb7: {  	s1 =	ssub.s32 @!p0 $0x0, s1;
	[sflag:s0] =	ssyncset.done @!p0 $0x0  }
0xb8: {  	[sflag:s0] =	ssyncadd.s32 @!p0 s1  }
0xb9: {  	[bflag:$0x3] =	sbarrier.arrive $0xFFFF  }
0xba: {  	_ =	shalt  }

</sc_bundles>
